<compile_context>
chip_gen: v7x
topology: tpu7x:2x2x1
jax: 0.10.2.dev20260603
libtpu: 0.0.44.dev20260713+nightly
codegen_flags: <defaults>
</compile_context>

<pallas_src>
import functools

import jax
import jax.numpy as jnp
from jax import lax
from jax.experimental import pallas as pl
from jax.experimental.pallas import tpu as pltpu
from jax.experimental.pallas import tpu_sc as plsc

_L = 16


def _kahn_body(nb, nf, graphs_hbm, out_hbm, g_v, q_v):
    wid = lax.axis_index("s")

    @pl.when(wid < nb)
    def _():
        pltpu.sync_copy(graphs_hbm.at[wid], g_v)
        lane = lax.broadcasted_iota(jnp.int32, (_L,), 0)
        active = lane < nf
        flat_base = (lane & (nf - 1)) * nf

        indeg = jnp.zeros((_L,), jnp.int32)
        for j in range(nf):
            col = plsc.load_gather(g_v, [flat_base + j])
            indeg = indeg + jnp.where(active, col, 0)
        indeg = jnp.where(active, indeg, jnp.full((_L,), 999, jnp.int32))

        src = active & (indeg == 0)
        srci = src.astype(jnp.int32)
        rank = jnp.cumsum(srci) - srci
        time = jnp.where(src, rank, 100 + lane)
        tail = jnp.sum(srci)

        for k in range(nf):
            si = jnp.sum(jnp.where(time == k, lane, 0))
            col = plsc.load_gather(g_v, [flat_base + si])
            edge = active & (col == 1)
            indeg = indeg - edge.astype(jnp.int32)
            newly = edge & (indeg == 0)
            ni = newly.astype(jnp.int32)
            rank = jnp.cumsum(ni) - ni
            time = jnp.where(newly, tail + rank, time)
            tail = tail + jnp.sum(ni)

        _, order = plsc.sort_key_val(time, lane)
        q_v[...] = jnp.where(lane < tail, order, 0)
        pltpu.sync_copy(q_v.at[pl.ds(0, nf)], out_hbm.at[wid])


def kernel(graphs):
    graphs = graphs.astype(jnp.int32)
    nb, nf = graphs.shape[0], graphs.shape[1]
    mesh = plsc.VectorSubcoreMesh(
        core_axis_name="c",
        subcore_axis_name="s",
        num_cores=1,
        num_subcores=4,
    )
    run = pl.kernel(
        functools.partial(_kahn_body, nb, nf),
        mesh=mesh,
        compiler_params=pltpu.CompilerParams(
            needs_layout_passes=False,
            use_tc_tiling_on_sc=False,
            skip_device_barrier=True,
        ),
        out_type=jax.ShapeDtypeStruct((nb, nf), jnp.int32),
        scratch_types=[
            pltpu.VMEM((nf * nf,), jnp.int32),
            pltpu.VMEM((_L,), jnp.int32),
        ],
    )
    return run(graphs.reshape(nb, nf * nf))

# --- scband reference (transcript-rebuilt; emitter-appended) ---
"""Pipeline reference for scband-lgbayesian-network-79680233275469 (READ-ONLY COPY).

The authoritative reference and input builder live on the scoring server;
editing this copy changes nothing except your own understanding.
"""

import jax, jax.numpy as jnp
import numpy as np


def _build_graphs():
    nstates, nf = 4, 8
    g = np.zeros((nstates, nf, nf), dtype=np.int32)
    # state 0: full strictly-lower-triangular DAG
    g[0] = np.tril(np.ones((nf, nf), dtype=np.int32), k=-1)
    # state 1: chain DAG
    for j in range(1, nf):
        g[1, j, j - 1] = 1
    # state 2: empty graph (trivially a DAG)
    # state 3: star DAG rooted at node 0
    for j in range(1, nf):
        g[3, j, 0] = 1
    return g


def setup_inputs() -> dict:
    graphs = jnp.asarray(_build_graphs(), dtype=jnp.int32)
    return {"graphs": graphs}


def _dag_v(graph):
    # Faithful port of LGBayesianNetwork.dag_v (Kahn's algorithm with FIFO queue,
    # sources initially inserted in ascending index order, children appended in
    # ascending index order as their in-degree drops to zero).
    g = np.array(graph, dtype=np.int64).copy()
    topor = []
    s = [int(i) for i in np.where(g.sum(axis=1) == 0)[0]]
    while len(s) > 0:
        si = s.pop(0)
        topor.append(si)
        indexi = np.where(g.T[si] == 1)[0]
        for x in indexi:
            g[x, si] = 0
            if g[x].sum() == 0:
                s.append(int(x))
    booli = bool(g.sum() == 0)
    return booli, np.array(topor, dtype=np.int32)


def reference(graphs):
    # The torch module's forward() returns None; the only observable computation
    # is the constructor's dag_v_all -> self.order buffer. We expose that buffer
    # as the reference output so there is something to check.
    graphs = graphs.astype(jnp.int32)
    nfeatures = graphs.shape[1]

    def _topo(g):
        # Kahn's algorithm with FIFO queue: sources seeded in ascending index
        # order; children appended in ascending index order as their in-degree
        # drops to zero. Since each node is popped exactly once, the filled
        # queue is the topological order.
        indeg0 = g.sum(axis=1)
        queue0 = jnp.zeros((nfeatures,), dtype=jnp.int32)

        def _seed(j, carry):
            queue, tail = carry
            is_src = indeg0[j] == 0
            queue = queue.at[tail].set(jnp.where(is_src, j, queue[tail]))
            return queue, tail + is_src.astype(jnp.int32)

        queue0, tail0 = jax.lax.fori_loop(
            0, nfeatures, _seed, (queue0, jnp.int32(0))
        )

        def _pop(k, carry):
            indeg, queue, tail = carry
            si = queue[k]

            def _child(x, inner):
                indeg, queue, tail = inner
                has_edge = g[x, si] == 1
                new_deg = indeg[x] - has_edge.astype(indeg.dtype)
                indeg = indeg.at[x].set(new_deg)
                append = has_edge & (new_deg == 0)
                queue = queue.at[tail].set(jnp.where(append, x, queue[tail]))
                return indeg, queue, tail + append.astype(jnp.int32)

            return jax.lax.fori_loop(0, nfeatures, _child, (indeg, queue, tail))

        _, queue, _ = jax.lax.fori_loop(0, nfeatures, _pop, (indeg0, queue0, tail0))
        return queue.astype(jnp.int32)

    return jax.vmap(_topo)(graphs)

if __name__ == "__main__":
    import jax
    _d = setup_inputs()
    print(jax.jit(kernel)(*tuple(_d.values())))

</pallas_src>

<mosaic_0001>
#map = affine_map<(d0, d1) -> (0, 0)>
module attributes {stable_mosaic.version = 14 : i64} {
  func.func @_kahn_body(%arg0: i32, %arg1: i32, %arg2: memref<4x64xi32, #tpu.memory_space<hbm>>, %arg3: memref<4x8xi32, #tpu.memory_space<hbm>>, %arg4: memref<64xi32, #tpu.memory_space<vmem>>, %arg5: memref<16xi32, #tpu.memory_space<vmem>>) attributes {dimension_semantics = [#tpu.dimension_semantics<core_parallel>, #tpu.dimension_semantics<subcore_parallel>], iteration_bounds = array<i64: 1, 4>, scalar_prefetch = 0 : i64, scratch_operands = 2 : i64, tpu.core_type = #tpu.core_type<sc_vector_subcore>, window_params = [{transform_indices = #map}, {transform_indices = #map}]} {
    %lt3A = arith.constant 4 : i32
    %lt3A_0 = arith.cmpi slt, %arg1, %lt3A : i32
    %convert_element_type3A = arith.extui %lt3A_0 : i1 to i32
    %cond3A = arith.constant 0 : i32
    %cond3A_1 = arith.cmpi ne, %convert_element_type3A, %cond3A : i32
    scf.if %cond3A_1 {
      "tpu.region"() ({
        %run_scoped3A = tpu.sem_alloc : memref<!tpu.dma_semaphore, #tpu.memory_space<semaphore_mem>>
        %dma_start3A = arith.constant 0 : i32
        %dma_start3A_387 = tpu.memref_slice %arg2[%arg1, %dma_start3A] : memref<4x64xi32, #tpu.memory_space<hbm>> -> memref<1x64xi32, #tpu.memory_space<hbm>>
        %dma_start3A_388 = tpu.memref_squeeze %dma_start3A_387 : memref<1x64xi32, #tpu.memory_space<hbm>> -> memref<64xi32, #tpu.memory_space<hbm>>
        %dma_start3A_389 = arith.constant 0 : i32
        %dma_start3A_390 = tpu.memref_slice %arg2[%arg1, %dma_start3A_389] : memref<4x64xi32, #tpu.memory_space<hbm>> -> memref<1x64xi32, #tpu.memory_space<hbm>>
        %dma_start3A_391 = tpu.memref_squeeze %dma_start3A_390 : memref<1x64xi32, #tpu.memory_space<hbm>> -> memref<64xi32, #tpu.memory_space<hbm>>
        tpu.enqueue_dma source(%dma_start3A_391 : memref<64xi32, #tpu.memory_space<hbm>>) target(%arg4 : memref<64xi32, #tpu.memory_space<vmem>>) target_semaphore(%run_scoped3A : memref<!tpu.dma_semaphore, #tpu.memory_space<semaphore_mem>>)
        %dma_wait3A = arith.constant 0 : i32
        %dma_wait3A_392 = tpu.memref_slice %arg2[%arg1, %dma_wait3A] : memref<4x64xi32, #tpu.memory_space<hbm>> -> memref<1x64xi32, #tpu.memory_space<hbm>>
        %dma_wait3A_393 = tpu.memref_squeeze %dma_wait3A_392 : memref<1x64xi32, #tpu.memory_space<hbm>> -> memref<64xi32, #tpu.memory_space<hbm>>
        %dma_wait3A_394 = arith.constant 0 : i32
        %dma_wait3A_395 = tpu.memref_slice %arg2[%arg1, %dma_wait3A_394] : memref<4x64xi32, #tpu.memory_space<hbm>> -> memref<1x64xi32, #tpu.memory_space<hbm>>
        %dma_wait3A_396 = tpu.memref_squeeze %dma_wait3A_395 : memref<1x64xi32, #tpu.memory_space<hbm>> -> memref<64xi32, #tpu.memory_space<hbm>>
        tpu.wait_dma2 semaphore(%run_scoped3A : memref<!tpu.dma_semaphore, #tpu.memory_space<semaphore_mem>>) src(%dma_wait3A_396 : memref<64xi32, #tpu.memory_space<hbm>>) dst(%arg4 : memref<64xi32, #tpu.memory_space<vmem>>)
        tpu.yield
      }) : () -> ()
      %iota3A = tpu.iota {dimensions = array<i32: 0>} : vector<16xi32>
      %lt3A_2 = arith.constant 8 : i32
      %lt3A_3 = vector.broadcast %lt3A_2 : i32 to vector<16xi32>
      %lt3A_4 = arith.cmpi slt, %iota3A, %lt3A_3 : vector<16xi32>
      %and3A = arith.constant 7 : i32
      %and3A_5 = vector.broadcast %and3A : i32 to vector<16xi32>
      %and3A_6 = arith.andi %iota3A, %and3A_5 : vector<16xi32>
      %mul3A = arith.constant 8 : i32
      %mul3A_7 = vector.broadcast %mul3A : i32 to vector<16xi32>
      %mul3A_8 = arith.muli %and3A_6, %mul3A_7 : vector<16xi32>
      %broadcast_in_dim3A = arith.constant 0 : i32
      %broadcast_in_dim3A_9 = vector.broadcast %broadcast_in_dim3A : i32 to vector<16xi32>
      %add3A = arith.constant 0 : i32
      %add3A_10 = vector.broadcast %add3A : i32 to vector<16xi32>
      %add3A_11 = arith.addi %mul3A_8, %add3A_10 : vector<16xi32>
      %gather3A = tpu.vector_load_idx %arg4[%add3A_11] : memref<64xi32, #tpu.memory_space<vmem>>[vector<16xi32>], vector<16xi32>,
      %jit3A = arith.constant 0 : i32
      %broadcast_in_dim3A_12 = vector.broadcast %jit3A : i32 to vector<16xi32>
      %select_n3A = arith.select %lt3A_4, %gather3A, %broadcast_in_dim3A_12 : vector<16xi1>, vector<16xi32>
      %add3A_13 = arith.addi %broadcast_in_dim3A_9, %select_n3A : vector<16xi32>
      %add3A_14 = arith.constant 1 : i32
      %add3A_15 = vector.broadcast %add3A_14 : i32 to vector<16xi32>
      %add3A_16 = arith.addi %mul3A_8, %add3A_15 : vector<16xi32>
      %gather3A_17 = tpu.vector_load_idx %arg4[%add3A_16] : memref<64xi32, #tpu.memory_space<vmem>>[vector<16xi32>], vector<16xi32>,
      %jit3A_18 = arith.constant 0 : i32
      %broadcast_in_dim3A_19 = vector.broadcast %jit3A_18 : i32 to vector<16xi32>
      %select_n3A_20 = arith.select %lt3A_4, %gather3A_17, %broadcast_in_dim3A_19 : vector<16xi1>, vector<16xi32>
      %add3A_21 = arith.addi %add3A_13, %select_n3A_20 : vector<16xi32>
      %add3A_22 = arith.constant 2 : i32
      %add3A_23 = vector.broadcast %add3A_22 : i32 to vector<16xi32>
      %add3A_24 = arith.addi %mul3A_8, %add3A_23 : vector<16xi32>
      %gather3A_25 = tpu.vector_load_idx %arg4[%add3A_24] : memref<64xi32, #tpu.memory_space<vmem>>[vector<16xi32>], vector<16xi32>,
      %jit3A_26 = arith.constant 0 : i32
      %broadcast_in_dim3A_27 = vector.broadcast %jit3A_26 : i32 to vector<16xi32>
      %select_n3A_28 = arith.select %lt3A_4, %gather3A_25, %broadcast_in_dim3A_27 : vector<16xi1>, vector<16xi32>
      %add3A_29 = arith.addi %add3A_21, %select_n3A_28 : vector<16xi32>
      %add3A_30 = arith.constant 3 : i32
      %add3A_31 = vector.broadcast %add3A_30 : i32 to vector<16xi32>
      %add3A_32 = arith.addi %mul3A_8, %add3A_31 : vector<16xi32>
      %gather3A_33 = tpu.vector_load_idx %arg4[%add3A_32] : memref<64xi32, #tpu.memory_space<vmem>>[vector<16xi32>], vector<16xi32>,
      %jit3A_34 = arith.constant 0 : i32
      %broadcast_in_dim3A_35 = vector.broadcast %jit3A_34 : i32 to vector<16xi32>
      %select_n3A_36 = arith.select %lt3A_4, %gather3A_33, %broadcast_in_dim3A_35 : vector<16xi1>, vector<16xi32>
      %add3A_37 = arith.addi %add3A_29, %select_n3A_36 : vector<16xi32>
      %add3A_38 = arith.constant 4 : i32
      %add3A_39 = vector.broadcast %add3A_38 : i32 to vector<16xi32>
      %add3A_40 = arith.addi %mul3A_8, %add3A_39 : vector<16xi32>
      %gather3A_41 = tpu.vector_load_idx %arg4[%add3A_40] : memref<64xi32, #tpu.memory_space<vmem>>[vector<16xi32>], vector<16xi32>,
      %jit3A_42 = arith.constant 0 : i32
      %broadcast_in_dim3A_43 = vector.broadcast %jit3A_42 : i32 to vector<16xi32>
      %select_n3A_44 = arith.select %lt3A_4, %gather3A_41, %broadcast_in_dim3A_43 : vector<16xi1>, vector<16xi32>
      %add3A_45 = arith.addi %add3A_37, %select_n3A_44 : vector<16xi32>
      %add3A_46 = arith.constant 5 : i32
      %add3A_47 = vector.broadcast %add3A_46 : i32 to vector<16xi32>
      %add3A_48 = arith.addi %mul3A_8, %add3A_47 : vector<16xi32>
      %gather3A_49 = tpu.vector_load_idx %arg4[%add3A_48] : memref<64xi32, #tpu.memory_space<vmem>>[vector<16xi32>], vector<16xi32>,
      %jit3A_50 = arith.constant 0 : i32
      %broadcast_in_dim3A_51 = vector.broadcast %jit3A_50 : i32 to vector<16xi32>
      %select_n3A_52 = arith.select %lt3A_4, %gather3A_49, %broadcast_in_dim3A_51 : vector<16xi1>, vector<16xi32>
      %add3A_53 = arith.addi %add3A_45, %select_n3A_52 : vector<16xi32>
      %add3A_54 = arith.constant 6 : i32
      %add3A_55 = vector.broadcast %add3A_54 : i32 to vector<16xi32>
      %add3A_56 = arith.addi %mul3A_8, %add3A_55 : vector<16xi32>
      %gather3A_57 = tpu.vector_load_idx %arg4[%add3A_56] : memref<64xi32, #tpu.memory_space<vmem>>[vector<16xi32>], vector<16xi32>,
      %jit3A_58 = arith.constant 0 : i32
      %broadcast_in_dim3A_59 = vector.broadcast %jit3A_58 : i32 to vector<16xi32>
      %select_n3A_60 = arith.select %lt3A_4, %gather3A_57, %broadcast_in_dim3A_59 : vector<16xi1>, vector<16xi32>
      %add3A_61 = arith.addi %add3A_53, %select_n3A_60 : vector<16xi32>
      %add3A_62 = arith.constant 7 : i32
      %add3A_63 = vector.broadcast %add3A_62 : i32 to vector<16xi32>
      %add3A_64 = arith.addi %mul3A_8, %add3A_63 : vector<16xi32>
      %gather3A_65 = tpu.vector_load_idx %arg4[%add3A_64] : memref<64xi32, #tpu.memory_space<vmem>>[vector<16xi32>], vector<16xi32>,
      %jit3A_66 = arith.constant 0 : i32
      %broadcast_in_dim3A_67 = vector.broadcast %jit3A_66 : i32 to vector<16xi32>
      %select_n3A_68 = arith.select %lt3A_4, %gather3A_65, %broadcast_in_dim3A_67 : vector<16xi1>, vector<16xi32>
      %add3A_69 = arith.addi %add3A_61, %select_n3A_68 : vector<16xi32>
      %broadcast_in_dim3A_70 = arith.constant 999 : i32
      %broadcast_in_dim3A_71 = vector.broadcast %broadcast_in_dim3A_70 : i32 to vector<16xi32>
      %select_n3A_72 = arith.select %lt3A_4, %add3A_69, %broadcast_in_dim3A_71 : vector<16xi1>, vector<16xi32>
      %eq3A = arith.constant 0 : i32
      %eq3A_73 = vector.broadcast %eq3A : i32 to vector<16xi32>
      %eq3A_74 = arith.cmpi eq, %select_n3A_72, %eq3A_73 : vector<16xi32>
      %and3A_75 = arith.andi %lt3A_4, %eq3A_74 : vector<16xi1>
      %convert_element_type3A_76 = arith.extui %and3A_75 : vector<16xi1> to vector<16xi32>
      %cumsum3A = arith.constant true
      %cumsum3A_77 = vector.broadcast %cumsum3A : i1 to vector<16xi1>
      %cumsum3A_78 = tpu.scan <sum>, %convert_element_type3A_76 masked %cumsum3A_77 : vector<16xi32>, vector<16xi1> -> vector<16xi32>
      %sub3A = arith.subi %cumsum3A_78, %convert_element_type3A_76 : vector<16xi32>
      %add3A_79 = arith.constant 100 : i32
      %add3A_80 = vector.broadcast %add3A_79 : i32 to vector<16xi32>
      %add3A_81 = arith.addi %add3A_80, %iota3A : vector<16xi32>
      %select_n3A_82 = arith.select %and3A_75, %sub3A, %add3A_81 : vector<16xi1>, vector<16xi32>
      %reduce_sum3A = arith.constant true
      %reduce_sum3A_83 = vector.broadcast %reduce_sum3A : i1 to vector<16xi1>
      %reduce_sum3A_84 = tpu.scan <sum>, %convert_element_type3A_76 masked %reduce_sum3A_83 : vector<16xi32>, vector<16xi1> -> vector<16xi32>
      %reduce_sum3A_85 = vector.extract %reduce_sum3A_84[15] : i32 from vector<16xi32>
      %eq3A_86 = arith.constant 0 : i32
      %eq3A_87 = vector.broadcast %eq3A_86 : i32 to vector<16xi32>
      %eq3A_88 = arith.cmpi eq, %select_n3A_82, %eq3A_87 : vector<16xi32>
      %jit3A_89 = arith.constant 0 : i32
      %broadcast_in_dim3A_90 = vector.broadcast %jit3A_89 : i32 to vector<16xi32>
      %select_n3A_91 = arith.select %eq3A_88, %iota3A, %broadcast_in_dim3A_90 : vector<16xi1>, vector<16xi32>
      %reduce_sum3A_92 = arith.constant true
      %reduce_sum3A_93 = vector.broadcast %reduce_sum3A_92 : i1 to vector<16xi1>
      %reduce_sum3A_94 = tpu.scan <sum>, %select_n3A_91 masked %reduce_sum3A_93 : vector<16xi32>, vector<16xi1> -> vector<16xi32>
      %reduce_sum3A_95 = vector.extract %reduce_sum3A_94[15] : i32 from vector<16xi32>
      %add3A_96 = vector.broadcast %reduce_sum3A_95 : i32 to vector<16xi32>
      %add3A_97 = arith.addi %mul3A_8, %add3A_96 : vector<16xi32>
      %gather3A_98 = tpu.vector_load_idx %arg4[%add3A_97] : memref<64xi32, #tpu.memory_space<vmem>>[vector<16xi32>], vector<16xi32>,
      %eq3A_99 = arith.constant 1 : i32
      %eq3A_100 = vector.broadcast %eq3A_99 : i32 to vector<16xi32>
      %eq3A_101 = arith.cmpi eq, %gather3A_98, %eq3A_100 : vector<16xi32>
      %and3A_102 = arith.andi %lt3A_4, %eq3A_101 : vector<16xi1>
      %convert_element_type3A_103 = arith.extui %and3A_102 : vector<16xi1> to vector<16xi32>
      %sub3A_104 = arith.subi %select_n3A_72, %convert_element_type3A_103 : vector<16xi32>
      %eq3A_105 = arith.constant 0 : i32
      %eq3A_106 = vector.broadcast %eq3A_105 : i32 to vector<16xi32>
      %eq3A_107 = arith.cmpi eq, %sub3A_104, %eq3A_106 : vector<16xi32>
      %and3A_108 = arith.andi %and3A_102, %eq3A_107 : vector<16xi1>
      %convert_element_type3A_109 = arith.extui %and3A_108 : vector<16xi1> to vector<16xi32>
      %cumsum3A_110 = arith.constant true
      %cumsum3A_111 = vector.broadcast %cumsum3A_110 : i1 to vector<16xi1>
      %cumsum3A_112 = tpu.scan <sum>, %convert_element_type3A_109 masked %cumsum3A_111 : vector<16xi32>, vector<16xi1> -> vector<16xi32>
      %sub3A_113 = arith.subi %cumsum3A_112, %convert_element_type3A_109 : vector<16xi32>
      %add3A_114 = vector.broadcast %reduce_sum3A_85 : i32 to vector<16xi32>
      %add3A_115 = arith.addi %add3A_114, %sub3A_113 : vector<16xi32>
      %select_n3A_116 = arith.select %and3A_108, %add3A_115, %select_n3A_82 : vector<16xi1>, vector<16xi32>
      %reduce_sum3A_117 = arith.constant true
      %reduce_sum3A_118 = vector.broadcast %reduce_sum3A_117 : i1 to vector<16xi1>
      %reduce_sum3A_119 = tpu.scan <sum>, %convert_element_type3A_109 masked %reduce_sum3A_118 : vector<16xi32>, vector<16xi1> -> vector<16xi32>
      %reduce_sum3A_120 = vector.extract %reduce_sum3A_119[15] : i32 from vector<16xi32>
      %add3A_121 = arith.addi %reduce_sum3A_85, %reduce_sum3A_120 : i32
      %eq3A_122 = arith.constant 1 : i32
      %eq3A_123 = vector.broadcast %eq3A_122 : i32 to vector<16xi32>
      %eq3A_124 = arith.cmpi eq, %select_n3A_116, %eq3A_123 : vector<16xi32>
      %jit3A_125 = arith.constant 0 : i32
      %broadcast_in_dim3A_126 = vector.broadcast %jit3A_125 : i32 to vector<16xi32>
      %select_n3A_127 = arith.select %eq3A_124, %iota3A, %broadcast_in_dim3A_126 : vector<16xi1>, vector<16xi32>
      %reduce_sum3A_128 = arith.constant true
      %reduce_sum3A_129 = vector.broadcast %reduce_sum3A_128 : i1 to vector<16xi1>
      %reduce_sum3A_130 = tpu.scan <sum>, %select_n3A_127 masked %reduce_sum3A_129 : vector<16xi32>, vector<16xi1> -> vector<16xi32>
      %reduce_sum3A_131 = vector.extract %reduce_sum3A_130[15] : i32 from vector<16xi32>
      %add3A_132 = vector.broadcast %reduce_sum3A_131 : i32 to vector<16xi32>
      %add3A_133 = arith.addi %mul3A_8, %add3A_132 : vector<16xi32>
      %gather3A_134 = tpu.vector_load_idx %arg4[%add3A_133] : memref<64xi32, #tpu.memory_space<vmem>>[vector<16xi32>], vector<16xi32>,
      %eq3A_135 = arith.constant 1 : i32
      %eq3A_136 = vector.broadcast %eq3A_135 : i32 to vector<16xi32>
      %eq3A_137 = arith.cmpi eq, %gather3A_134, %eq3A_136 : vector<16xi32>
      %and3A_138 = arith.andi %lt3A_4, %eq3A_137 : vector<16xi1>
      %convert_element_type3A_139 = arith.extui %and3A_138 : vector<16xi1> to vector<16xi32>
      %sub3A_140 = arith.subi %sub3A_104, %convert_element_type3A_139 : vector<16xi32>
      %eq3A_141 = arith.constant 0 : i32
      %eq3A_142 = vector.broadcast %eq3A_141 : i32 to vector<16xi32>
      %eq3A_143 = arith.cmpi eq, %sub3A_140, %eq3A_142 : vector<16xi32>
      %and3A_144 = arith.andi %and3A_138, %eq3A_143 : vector<16xi1>
      %convert_element_type3A_145 = arith.extui %and3A_144 : vector<16xi1> to vector<16xi32>
      %cumsum3A_146 = arith.constant true
      %cumsum3A_147 = vector.broadcast %cumsum3A_146 : i1 to vector<16xi1>
      %cumsum3A_148 = tpu.scan <sum>, %convert_element_type3A_145 masked %cumsum3A_147 : vector<16xi32>, vector<16xi1> -> vector<16xi32>
      %sub3A_149 = arith.subi %cumsum3A_148, %convert_element_type3A_145 : vector<16xi32>
      %add3A_150 = vector.broadcast %add3A_121 : i32 to vector<16xi32>
      %add3A_151 = arith.addi %add3A_150, %sub3A_149 : vector<16xi32>
      %select_n3A_152 = arith.select %and3A_144, %add3A_151, %select_n3A_116 : vector<16xi1>, vector<16xi32>
      %reduce_sum3A_153 = arith.constant true
      %reduce_sum3A_154 = vector.broadcast %reduce_sum3A_153 : i1 to vector<16xi1>
      %reduce_sum3A_155 = tpu.scan <sum>, %convert_element_type3A_145 masked %reduce_sum3A_154 : vector<16xi32>, vector<16xi1> -> vector<16xi32>
      %reduce_sum3A_156 = vector.extract %reduce_sum3A_155[15] : i32 from vector<16xi32>
      %add3A_157 = arith.addi %add3A_121, %reduce_sum3A_156 : i32
      %eq3A_158 = arith.constant 2 : i32
      %eq3A_159 = vector.broadcast %eq3A_158 : i32 to vector<16xi32>
      %eq3A_160 = arith.cmpi eq, %select_n3A_152, %eq3A_159 : vector<16xi32>
      %jit3A_161 = arith.constant 0 : i32
      %broadcast_in_dim3A_162 = vector.broadcast %jit3A_161 : i32 to vector<16xi32>
      %select_n3A_163 = arith.select %eq3A_160, %iota3A, %broadcast_in_dim3A_162 : vector<16xi1>, vector<16xi32>
      %reduce_sum3A_164 = arith.constant true
      %reduce_sum3A_165 = vector.broadcast %reduce_sum3A_164 : i1 to vector<16xi1>
      %reduce_sum3A_166 = tpu.scan <sum>, %select_n3A_163 masked %reduce_sum3A_165 : vector<16xi32>, vector<16xi1> -> vector<16xi32>
      %reduce_sum3A_167 = vector.extract %reduce_sum3A_166[15] : i32 from vector<16xi32>
      %add3A_168 = vector.broadcast %reduce_sum3A_167 : i32 to vector<16xi32>
      %add3A_169 = arith.addi %mul3A_8, %add3A_168 : vector<16xi32>
      %gather3A_170 = tpu.vector_load_idx %arg4[%add3A_169] : memref<64xi32, #tpu.memory_space<vmem>>[vector<16xi32>], vector<16xi32>,
      %eq3A_171 = arith.constant 1 : i32
      %eq3A_172 = vector.broadcast %eq3A_171 : i32 to vector<16xi32>
      %eq3A_173 = arith.cmpi eq, %gather3A_170, %eq3A_172 : vector<16xi32>
      %and3A_174 = arith.andi %lt3A_4, %eq3A_173 : vector<16xi1>
      %convert_element_type3A_175 = arith.extui %and3A_174 : vector<16xi1> to vector<16xi32>
      %sub3A_176 = arith.subi %sub3A_140, %convert_element_type3A_175 : vector<16xi32>
      %eq3A_177 = arith.constant 0 : i32
      %eq3A_178 = vector.broadcast %eq3A_177 : i32 to vector<16xi32>
      %eq3A_179 = arith.cmpi eq, %sub3A_176, %eq3A_178 : vector<16xi32>
      %and3A_180 = arith.andi %and3A_174, %eq3A_179 : vector<16xi1>
      %convert_element_type3A_181 = arith.extui %and3A_180 : vector<16xi1> to vector<16xi32>
      %cumsum3A_182 = arith.constant true
      %cumsum3A_183 = vector.broadcast %cumsum3A_182 : i1 to vector<16xi1>
      %cumsum3A_184 = tpu.scan <sum>, %convert_element_type3A_181 masked %cumsum3A_183 : vector<16xi32>, vector<16xi1> -> vector<16xi32>
      %sub3A_185 = arith.subi %cumsum3A_184, %convert_element_type3A_181 : vector<16xi32>
      %add3A_186 = vector.broadcast %add3A_157 : i32 to vector<16xi32>
      %add3A_187 = arith.addi %add3A_186, %sub3A_185 : vector<16xi32>
      %select_n3A_188 = arith.select %and3A_180, %add3A_187, %select_n3A_152 : vector<16xi1>, vector<16xi32>
      %reduce_sum3A_189 = arith.constant true
      %reduce_sum3A_190 = vector.broadcast %reduce_sum3A_189 : i1 to vector<16xi1>
      %reduce_sum3A_191 = tpu.scan <sum>, %convert_element_type3A_181 masked %reduce_sum3A_190 : vector<16xi32>, vector<16xi1> -> vector<16xi32>
      %reduce_sum3A_192 = vector.extract %reduce_sum3A_191[15] : i32 from vector<16xi32>
      %add3A_193 = arith.addi %add3A_157, %reduce_sum3A_192 : i32
      %eq3A_194 = arith.constant 3 : i32
      %eq3A_195 = vector.broadcast %eq3A_194 : i32 to vector<16xi32>
      %eq3A_196 = arith.cmpi eq, %select_n3A_188, %eq3A_195 : vector<16xi32>
      %jit3A_197 = arith.constant 0 : i32
      %broadcast_in_dim3A_198 = vector.broadcast %jit3A_197 : i32 to vector<16xi32>
      %select_n3A_199 = arith.select %eq3A_196, %iota3A, %broadcast_in_dim3A_198 : vector<16xi1>, vector<16xi32>
      %reduce_sum3A_200 = arith.constant true
      %reduce_sum3A_201 = vector.broadcast %reduce_sum3A_200 : i1 to vector<16xi1>
      %reduce_sum3A_202 = tpu.scan <sum>, %select_n3A_199 masked %reduce_sum3A_201 : vector<16xi32>, vector<16xi1> -> vector<16xi32>
      %reduce_sum3A_203 = vector.extract %reduce_sum3A_202[15] : i32 from vector<16xi32>
      %add3A_204 = vector.broadcast %reduce_sum3A_203 : i32 to vector<16xi32>
      %add3A_205 = arith.addi %mul3A_8, %add3A_204 : vector<16xi32>
      %gather3A_206 = tpu.vector_load_idx %arg4[%add3A_205] : memref<64xi32, #tpu.memory_space<vmem>>[vector<16xi32>], vector<16xi32>,
      %eq3A_207 = arith.constant 1 : i32
      %eq3A_208 = vector.broadcast %eq3A_207 : i32 to vector<16xi32>
      %eq3A_209 = arith.cmpi eq, %gather3A_206, %eq3A_208 : vector<16xi32>
      %and3A_210 = arith.andi %lt3A_4, %eq3A_209 : vector<16xi1>
      %convert_element_type3A_211 = arith.extui %and3A_210 : vector<16xi1> to vector<16xi32>
      %sub3A_212 = arith.subi %sub3A_176, %convert_element_type3A_211 : vector<16xi32>
      %eq3A_213 = arith.constant 0 : i32
      %eq3A_214 = vector.broadcast %eq3A_213 : i32 to vector<16xi32>
      %eq3A_215 = arith.cmpi eq, %sub3A_212, %eq3A_214 : vector<16xi32>
      %and3A_216 = arith.andi %and3A_210, %eq3A_215 : vector<16xi1>
      %convert_element_type3A_217 = arith.extui %and3A_216 : vector<16xi1> to vector<16xi32>
      %cumsum3A_218 = arith.constant true
      %cumsum3A_219 = vector.broadcast %cumsum3A_218 : i1 to vector<16xi1>
      %cumsum3A_220 = tpu.scan <sum>, %convert_element_type3A_217 masked %cumsum3A_219 : vector<16xi32>, vector<16xi1> -> vector<16xi32>
      %sub3A_221 = arith.subi %cumsum3A_220, %convert_element_type3A_217 : vector<16xi32>
      %add3A_222 = vector.broadcast %add3A_193 : i32 to vector<16xi32>
      %add3A_223 = arith.addi %add3A_222, %sub3A_221 : vector<16xi32>
      %select_n3A_224 = arith.select %and3A_216, %add3A_223, %select_n3A_188 : vector<16xi1>, vector<16xi32>
      %reduce_sum3A_225 = arith.constant true
      %reduce_sum3A_226 = vector.broadcast %reduce_sum3A_225 : i1 to vector<16xi1>
      %reduce_sum3A_227 = tpu.scan <sum>, %convert_element_type3A_217 masked %reduce_sum3A_226 : vector<16xi32>, vector<16xi1> -> vector<16xi32>
      %reduce_sum3A_228 = vector.extract %reduce_sum3A_227[15] : i32 from vector<16xi32>
      %add3A_229 = arith.addi %add3A_193, %reduce_sum3A_228 : i32
      %eq3A_230 = arith.constant 4 : i32
      %eq3A_231 = vector.broadcast %eq3A_230 : i32 to vector<16xi32>
      %eq3A_232 = arith.cmpi eq, %select_n3A_224, %eq3A_231 : vector<16xi32>
      %jit3A_233 = arith.constant 0 : i32
      %broadcast_in_dim3A_234 = vector.broadcast %jit3A_233 : i32 to vector<16xi32>
      %select_n3A_235 = arith.select %eq3A_232, %iota3A, %broadcast_in_dim3A_234 : vector<16xi1>, vector<16xi32>
      %reduce_sum3A_236 = arith.constant true
      %reduce_sum3A_237 = vector.broadcast %reduce_sum3A_236 : i1 to vector<16xi1>
      %reduce_sum3A_238 = tpu.scan <sum>, %select_n3A_235 masked %reduce_sum3A_237 : vector<16xi32>, vector<16xi1> -> vector<16xi32>
      %reduce_sum3A_239 = vector.extract %reduce_sum3A_238[15] : i32 from vector<16xi32>
      %add3A_240 = vector.broadcast %reduce_sum3A_239 : i32 to vector<16xi32>
      %add3A_241 = arith.addi %mul3A_8, %add3A_240 : vector<16xi32>
      %gather3A_242 = tpu.vector_load_idx %arg4[%add3A_241] : memref<64xi32, #tpu.memory_space<vmem>>[vector<16xi32>], vector<16xi32>,
      %eq3A_243 = arith.constant 1 : i32
      %eq3A_244 = vector.broadcast %eq3A_243 : i32 to vector<16xi32>
      %eq3A_245 = arith.cmpi eq, %gather3A_242, %eq3A_244 : vector<16xi32>
      %and3A_246 = arith.andi %lt3A_4, %eq3A_245 : vector<16xi1>
      %convert_element_type3A_247 = arith.extui %and3A_246 : vector<16xi1> to vector<16xi32>
      %sub3A_248 = arith.subi %sub3A_212, %convert_element_type3A_247 : vector<16xi32>
      %eq3A_249 = arith.constant 0 : i32
      %eq3A_250 = vector.broadcast %eq3A_249 : i32 to vector<16xi32>
      %eq3A_251 = arith.cmpi eq, %sub3A_248, %eq3A_250 : vector<16xi32>
      %and3A_252 = arith.andi %and3A_246, %eq3A_251 : vector<16xi1>
      %convert_element_type3A_253 = arith.extui %and3A_252 : vector<16xi1> to vector<16xi32>
      %cumsum3A_254 = arith.constant true
      %cumsum3A_255 = vector.broadcast %cumsum3A_254 : i1 to vector<16xi1>
      %cumsum3A_256 = tpu.scan <sum>, %convert_element_type3A_253 masked %cumsum3A_255 : vector<16xi32>, vector<16xi1> -> vector<16xi32>
      %sub3A_257 = arith.subi %cumsum3A_256, %convert_element_type3A_253 : vector<16xi32>
      %add3A_258 = vector.broadcast %add3A_229 : i32 to vector<16xi32>
      %add3A_259 = arith.addi %add3A_258, %sub3A_257 : vector<16xi32>
      %select_n3A_260 = arith.select %and3A_252, %add3A_259, %select_n3A_224 : vector<16xi1>, vector<16xi32>
      %reduce_sum3A_261 = arith.constant true
      %reduce_sum3A_262 = vector.broadcast %reduce_sum3A_261 : i1 to vector<16xi1>
      %reduce_sum3A_263 = tpu.scan <sum>, %convert_element_type3A_253 masked %reduce_sum3A_262 : vector<16xi32>, vector<16xi1> -> vector<16xi32>
      %reduce_sum3A_264 = vector.extract %reduce_sum3A_263[15] : i32 from vector<16xi32>
      %add3A_265 = arith.addi %add3A_229, %reduce_sum3A_264 : i32
      %eq3A_266 = arith.constant 5 : i32
      %eq3A_267 = vector.broadcast %eq3A_266 : i32 to vector<16xi32>
      %eq3A_268 = arith.cmpi eq, %select_n3A_260, %eq3A_267 : vector<16xi32>
      %jit3A_269 = arith.constant 0 : i32
      %broadcast_in_dim3A_270 = vector.broadcast %jit3A_269 : i32 to vector<16xi32>
      %select_n3A_271 = arith.select %eq3A_268, %iota3A, %broadcast_in_dim3A_270 : vector<16xi1>, vector<16xi32>
      %reduce_sum3A_272 = arith.constant true
      %reduce_sum3A_273 = vector.broadcast %reduce_sum3A_272 : i1 to vector<16xi1>
      %reduce_sum3A_274 = tpu.scan <sum>, %select_n3A_271 masked %reduce_sum3A_273 : vector<16xi32>, vector<16xi1> -> vector<16xi32>
      %reduce_sum3A_275 = vector.extract %reduce_sum3A_274[15] : i32 from vector<16xi32>
      %add3A_276 = vector.broadcast %reduce_sum3A_275 : i32 to vector<16xi32>
      %add3A_277 = arith.addi %mul3A_8, %add3A_276 : vector<16xi32>
      %gather3A_278 = tpu.vector_load_idx %arg4[%add3A_277] : memref<64xi32, #tpu.memory_space<vmem>>[vector<16xi32>], vector<16xi32>,
      %eq3A_279 = arith.constant 1 : i32
      %eq3A_280 = vector.broadcast %eq3A_279 : i32 to vector<16xi32>
      %eq3A_281 = arith.cmpi eq, %gather3A_278, %eq3A_280 : vector<16xi32>
      %and3A_282 = arith.andi %lt3A_4, %eq3A_281 : vector<16xi1>
      %convert_element_type3A_283 = arith.extui %and3A_282 : vector<16xi1> to vector<16xi32>
      %sub3A_284 = arith.subi %sub3A_248, %convert_element_type3A_283 : vector<16xi32>
      %eq3A_285 = arith.constant 0 : i32
      %eq3A_286 = vector.broadcast %eq3A_285 : i32 to vector<16xi32>
      %eq3A_287 = arith.cmpi eq, %sub3A_284, %eq3A_286 : vector<16xi32>
      %and3A_288 = arith.andi %and3A_282, %eq3A_287 : vector<16xi1>
      %convert_element_type3A_289 = arith.extui %and3A_288 : vector<16xi1> to vector<16xi32>
      %cumsum3A_290 = arith.constant true
      %cumsum3A_291 = vector.broadcast %cumsum3A_290 : i1 to vector<16xi1>
      %cumsum3A_292 = tpu.scan <sum>, %convert_element_type3A_289 masked %cumsum3A_291 : vector<16xi32>, vector<16xi1> -> vector<16xi32>
      %sub3A_293 = arith.subi %cumsum3A_292, %convert_element_type3A_289 : vector<16xi32>
      %add3A_294 = vector.broadcast %add3A_265 : i32 to vector<16xi32>
      %add3A_295 = arith.addi %add3A_294, %sub3A_293 : vector<16xi32>
      %select_n3A_296 = arith.select %and3A_288, %add3A_295, %select_n3A_260 : vector<16xi1>, vector<16xi32>
      %reduce_sum3A_297 = arith.constant true
      %reduce_sum3A_298 = vector.broadcast %reduce_sum3A_297 : i1 to vector<16xi1>
      %reduce_sum3A_299 = tpu.scan <sum>, %convert_element_type3A_289 masked %reduce_sum3A_298 : vector<16xi32>, vector<16xi1> -> vector<16xi32>
      %reduce_sum3A_300 = vector.extract %reduce_sum3A_299[15] : i32 from vector<16xi32>
      %add3A_301 = arith.addi %add3A_265, %reduce_sum3A_300 : i32
      %eq3A_302 = arith.constant 6 : i32
      %eq3A_303 = vector.broadcast %eq3A_302 : i32 to vector<16xi32>
      %eq3A_304 = arith.cmpi eq, %select_n3A_296, %eq3A_303 : vector<16xi32>
      %jit3A_305 = arith.constant 0 : i32
      %broadcast_in_dim3A_306 = vector.broadcast %jit3A_305 : i32 to vector<16xi32>
      %select_n3A_307 = arith.select %eq3A_304, %iota3A, %broadcast_in_dim3A_306 : vector<16xi1>, vector<16xi32>
      %reduce_sum3A_308 = arith.constant true
      %reduce_sum3A_309 = vector.broadcast %reduce_sum3A_308 : i1 to vector<16xi1>
      %reduce_sum3A_310 = tpu.scan <sum>, %select_n3A_307 masked %reduce_sum3A_309 : vector<16xi32>, vector<16xi1> -> vector<16xi32>
      %reduce_sum3A_311 = vector.extract %reduce_sum3A_310[15] : i32 from vector<16xi32>
      %add3A_312 = vector.broadcast %reduce_sum3A_311 : i32 to vector<16xi32>
      %add3A_313 = arith.addi %mul3A_8, %add3A_312 : vector<16xi32>
      %gather3A_314 = tpu.vector_load_idx %arg4[%add3A_313] : memref<64xi32, #tpu.memory_space<vmem>>[vector<16xi32>], vector<16xi32>,
      %eq3A_315 = arith.constant 1 : i32
      %eq3A_316 = vector.broadcast %eq3A_315 : i32 to vector<16xi32>
      %eq3A_317 = arith.cmpi eq, %gather3A_314, %eq3A_316 : vector<16xi32>
      %and3A_318 = arith.andi %lt3A_4, %eq3A_317 : vector<16xi1>
      %convert_element_type3A_319 = arith.extui %and3A_318 : vector<16xi1> to vector<16xi32>
      %sub3A_320 = arith.subi %sub3A_284, %convert_element_type3A_319 : vector<16xi32>
      %eq3A_321 = arith.constant 0 : i32
      %eq3A_322 = vector.broadcast %eq3A_321 : i32 to vector<16xi32>
      %eq3A_323 = arith.cmpi eq, %sub3A_320, %eq3A_322 : vector<16xi32>
      %and3A_324 = arith.andi %and3A_318, %eq3A_323 : vector<16xi1>
      %convert_element_type3A_325 = arith.extui %and3A_324 : vector<16xi1> to vector<16xi32>
      %cumsum3A_326 = arith.constant true
      %cumsum3A_327 = vector.broadcast %cumsum3A_326 : i1 to vector<16xi1>
      %cumsum3A_328 = tpu.scan <sum>, %convert_element_type3A_325 masked %cumsum3A_327 : vector<16xi32>, vector<16xi1> -> vector<16xi32>
      %sub3A_329 = arith.subi %cumsum3A_328, %convert_element_type3A_325 : vector<16xi32>
      %add3A_330 = vector.broadcast %add3A_301 : i32 to vector<16xi32>
      %add3A_331 = arith.addi %add3A_330, %sub3A_329 : vector<16xi32>
      %select_n3A_332 = arith.select %and3A_324, %add3A_331, %select_n3A_296 : vector<16xi1>, vector<16xi32>
      %reduce_sum3A_333 = arith.constant true
      %reduce_sum3A_334 = vector.broadcast %reduce_sum3A_333 : i1 to vector<16xi1>
      %reduce_sum3A_335 = tpu.scan <sum>, %convert_element_type3A_325 masked %reduce_sum3A_334 : vector<16xi32>, vector<16xi1> -> vector<16xi32>
      %reduce_sum3A_336 = vector.extract %reduce_sum3A_335[15] : i32 from vector<16xi32>
      %add3A_337 = arith.addi %add3A_301, %reduce_sum3A_336 : i32
      %eq3A_338 = arith.constant 7 : i32
      %eq3A_339 = vector.broadcast %eq3A_338 : i32 to vector<16xi32>
      %eq3A_340 = arith.cmpi eq, %select_n3A_332, %eq3A_339 : vector<16xi32>
      %jit3A_341 = arith.constant 0 : i32
      %broadcast_in_dim3A_342 = vector.broadcast %jit3A_341 : i32 to vector<16xi32>
      %select_n3A_343 = arith.select %eq3A_340, %iota3A, %broadcast_in_dim3A_342 : vector<16xi1>, vector<16xi32>
      %reduce_sum3A_344 = arith.constant true
      %reduce_sum3A_345 = vector.broadcast %reduce_sum3A_344 : i1 to vector<16xi1>
      %reduce_sum3A_346 = tpu.scan <sum>, %select_n3A_343 masked %reduce_sum3A_345 : vector<16xi32>, vector<16xi1> -> vector<16xi32>
      %reduce_sum3A_347 = vector.extract %reduce_sum3A_346[15] : i32 from vector<16xi32>
      %add3A_348 = vector.broadcast %reduce_sum3A_347 : i32 to vector<16xi32>
      %add3A_349 = arith.addi %mul3A_8, %add3A_348 : vector<16xi32>
      %gather3A_350 = tpu.vector_load_idx %arg4[%add3A_349] : memref<64xi32, #tpu.memory_space<vmem>>[vector<16xi32>], vector<16xi32>,
      %eq3A_351 = arith.constant 1 : i32
      %eq3A_352 = vector.broadcast %eq3A_351 : i32 to vector<16xi32>
      %eq3A_353 = arith.cmpi eq, %gather3A_350, %eq3A_352 : vector<16xi32>
      %and3A_354 = arith.andi %lt3A_4, %eq3A_353 : vector<16xi1>
      %convert_element_type3A_355 = arith.extui %and3A_354 : vector<16xi1> to vector<16xi32>
      %sub3A_356 = arith.subi %sub3A_320, %convert_element_type3A_355 : vector<16xi32>
      %eq3A_357 = arith.constant 0 : i32
      %eq3A_358 = vector.broadcast %eq3A_357 : i32 to vector<16xi32>
      %eq3A_359 = arith.cmpi eq, %sub3A_356, %eq3A_358 : vector<16xi32>
      %and3A_360 = arith.andi %and3A_354, %eq3A_359 : vector<16xi1>
      %convert_element_type3A_361 = arith.extui %and3A_360 : vector<16xi1> to vector<16xi32>
      %cumsum3A_362 = arith.constant true
      %cumsum3A_363 = vector.broadcast %cumsum3A_362 : i1 to vector<16xi1>
      %cumsum3A_364 = tpu.scan <sum>, %convert_element_type3A_361 masked %cumsum3A_363 : vector<16xi32>, vector<16xi1> -> vector<16xi32>
      %sub3A_365 = arith.subi %cumsum3A_364, %convert_element_type3A_361 : vector<16xi32>
      %add3A_366 = vector.broadcast %add3A_337 : i32 to vector<16xi32>
      %add3A_367 = arith.addi %add3A_366, %sub3A_365 : vector<16xi32>
      %select_n3A_368 = arith.select %and3A_360, %add3A_367, %select_n3A_332 : vector<16xi1>, vector<16xi32>
      %reduce_sum3A_369 = arith.constant true
      %reduce_sum3A_370 = vector.broadcast %reduce_sum3A_369 : i1 to vector<16xi1>
      %reduce_sum3A_371 = tpu.scan <sum>, %convert_element_type3A_361 masked %reduce_sum3A_370 : vector<16xi32>, vector<16xi1> -> vector<16xi32>
      %reduce_sum3A_372 = vector.extract %reduce_sum3A_371[15] : i32 from vector<16xi32>
      %add3A_373 = arith.addi %add3A_337, %reduce_sum3A_372 : i32
      %masked_sort3A = arith.constant dense<true> : vector<16xi1>
      %masked_sort3A_374 = arith.constant -2147483648 : i32
      %masked_sort3A_375 = vector.broadcast %masked_sort3A_374 : i32 to vector<16xi32>
      %masked_sort3A_376 = arith.xori %select_n3A_368, %masked_sort3A_375 : vector<16xi32>
      %masked_sort3A_377, %masked_sort3A_378, %masked_sort3A_379 = tpu.sort %masked_sort3A_376, %iota3A masked %masked_sort3A : (vector<16xi32>, vector<16xi32>, vector<16xi1>) -> (vector<16xi1>, vector<16xi32>, vector<16xi32>)
      %masked_sort3A_380 = arith.xori %masked_sort3A_378, %masked_sort3A_375 : vector<16xi32>
      %lt3A_381 = vector.broadcast %add3A_373 : i32 to vector<16xi32>
      %lt3A_382 = arith.cmpi slt, %iota3A, %lt3A_381 : vector<16xi32>
      %jit3A_383 = arith.constant 0 : i32
      %broadcast_in_dim3A_384 = vector.broadcast %jit3A_383 : i32 to vector<16xi32>
      %select_n3A_385 = arith.select %lt3A_382, %masked_sort3A_379, %broadcast_in_dim3A_384 : vector<16xi1>, vector<16xi32>
      %swap3A = arith.constant 0 : index
      %swap3A_386 = tpu.vector_load %arg5[%swap3A] {strides = array<i32>} : memref<16xi32, #tpu.memory_space<vmem>>, vector<16xi32>,
      tpu.vector_store %arg5[%swap3A], %select_n3A_385 {strides = array<i32>} : memref<16xi32, #tpu.memory_space<vmem>>, vector<16xi32>,
      "tpu.region"() ({
        %run_scoped3A = tpu.sem_alloc : memref<!tpu.dma_semaphore, #tpu.memory_space<semaphore_mem>>
        %dma_start3A = arith.constant 0 : i32
        %dma_start3A_387 = tpu.memref_slice %arg5[%dma_start3A] : memref<16xi32, #tpu.memory_space<vmem>> -> memref<8xi32, #tpu.memory_space<vmem>>
        %dma_start3A_388 = arith.constant 0 : i32
        %dma_start3A_389 = tpu.memref_slice %arg3[%arg1, %dma_start3A_388] : memref<4x8xi32, #tpu.memory_space<hbm>> -> memref<1x8xi32, #tpu.memory_space<hbm>>
        %dma_start3A_390 = tpu.memref_squeeze %dma_start3A_389 : memref<1x8xi32, #tpu.memory_space<hbm>> -> memref<8xi32, #tpu.memory_space<hbm>>
        %dma_start3A_391 = arith.constant 0 : i32
        %dma_start3A_392 = tpu.memref_slice %arg3[%arg1, %dma_start3A_391] : memref<4x8xi32, #tpu.memory_space<hbm>> -> memref<1x8xi32, #tpu.memory_space<hbm>>
        %dma_start3A_393 = tpu.memref_squeeze %dma_start3A_392 : memref<1x8xi32, #tpu.memory_space<hbm>> -> memref<8xi32, #tpu.memory_space<hbm>>
        %dma_start3A_394 = arith.constant 0 : i32
        %dma_start3A_395 = tpu.memref_slice %arg5[%dma_start3A_394] : memref<16xi32, #tpu.memory_space<vmem>> -> memref<8xi32, #tpu.memory_space<vmem>>
        tpu.enqueue_dma source(%dma_start3A_395 : memref<8xi32, #tpu.memory_space<vmem>>) target(%dma_start3A_393 : memref<8xi32, #tpu.memory_space<hbm>>) target_semaphore(%run_scoped3A : memref<!tpu.dma_semaphore, #tpu.memory_space<semaphore_mem>>)
        %dma_wait3A = arith.constant 0 : i32
        %dma_wait3A_396 = tpu.memref_slice %arg5[%dma_wait3A] : memref<16xi32, #tpu.memory_space<vmem>> -> memref<8xi32, #tpu.memory_space<vmem>>
        %dma_wait3A_397 = arith.constant 0 : i32
        %dma_wait3A_398 = tpu.memref_slice %arg3[%arg1, %dma_wait3A_397] : memref<4x8xi32, #tpu.memory_space<hbm>> -> memref<1x8xi32, #tpu.memory_space<hbm>>
        %dma_wait3A_399 = tpu.memref_squeeze %dma_wait3A_398 : memref<1x8xi32, #tpu.memory_space<hbm>> -> memref<8xi32, #tpu.memory_space<hbm>>
        %dma_wait3A_400 = arith.constant 0 : i32
        %dma_wait3A_401 = tpu.memref_slice %arg3[%arg1, %dma_wait3A_400] : memref<4x8xi32, #tpu.memory_space<hbm>> -> memref<1x8xi32, #tpu.memory_space<hbm>>
        %dma_wait3A_402 = tpu.memref_squeeze %dma_wait3A_401 : memref<1x8xi32, #tpu.memory_space<hbm>> -> memref<8xi32, #tpu.memory_space<hbm>>
        %dma_wait3A_403 = arith.constant 0 : i32
        %dma_wait3A_404 = tpu.memref_slice %arg5[%dma_wait3A_403] : memref<16xi32, #tpu.memory_space<vmem>> -> memref<8xi32, #tpu.memory_space<vmem>>
        tpu.wait_dma2 semaphore(%run_scoped3A : memref<!tpu.dma_semaphore, #tpu.memory_space<semaphore_mem>>) src(%dma_wait3A_404 : memref<8xi32, #tpu.memory_space<vmem>>) dst(%dma_wait3A_402 : memref<8xi32, #tpu.memory_space<hbm>>)
        tpu.yield
      }) : () -> ()
    } else {
    }
    return
  }
}

</mosaic_0001>

<sc_bundles>
// kernel: kernel.3.cloned.1.call-start
scs
__scs_entry_jumppad:
0x0: {  	(pc) =	sbr.rel $0x88, $3  }
0x1: {  	(tag) =	ssettag $0x0;
	lr =	simm.s32 $0x1  }
0x2: {  	[smem:$0x3FA0] =	sst lr;
	_ =	strace $0xD0000000  }
0x3: {  	_ = 	snop  }
0x4: {  	_ = 	snop  }
0x5: {  	_ = 	snop  }
0x6: {  	_ = 	snop  }
0x7: {  	_ = 	snop  }
__scs_overlays_trampoline_lowered:
0x8: {  	[smem:$0x3FAF] =	sst s0  }
0x9: {  	[smem:$0x3FB0] =	sst s1  }
0xa: {  	[smem:$0x3FB1] =	sst s2  }
0xb: {  	[smem:$0x3FB2] =	sst s3  }
0xc: {  	[smem:$0x3FB3] =	sst s4  }
0xd: {  	[smem:$0x3FB4] =	sst s5  }
0xe: {  	[smem:$0x3FB5] =	sst s6  }
0xf: {  	[smem:$0x3FB6] =	sst s7  }
0x10: {  	[smem:$0x3FB7] =	sst s8  }
0x11: {  	[smem:$0x3FB8] =	sst s9;
	s0 =	simm.s32 @!p0 $0x0  }
0x12: {  	s1 =	sld [smem:$0x3F9E];
	s0 =	simm.s32 @p0 $0x1  }
0x13: {  	[smem:$0x3FB9] =	sst s0;
	s0 =	simm.s32 @!p1 $0x0  }
0x14: {  	s2 =	sld [smem:$0x3F9D];
	s0 =	simm.s32 @p1 $0x1  }
0x15: {  	[smem:$0x3FBA] =	sst s0;
	s0 =	simm.s32 @!p2 $0x0  }
0x16: {  	s3 =	sld [smem:$0x3FDB];
	s0 =	simm.s32 @p2 $0x1  }
0x17: {  	s4 =	simm.s32 $0x1BF5;
	[smem:$0x3FBC] =	sst s0  }
0x18: {  	s0 =	sld [smem:$0x3F9F];
	_ =	swait.ge [sflag:s4], $0x0  }
0x19: {  	s7 =	sld [smem:$0x3FA0]  }
0x1a: {  	s8 =	sadd.s32 $0xFFFFE003, lr  }
0x1b: {  	s9 =	sadd.s32 $0xFFFFFEF7, lr;
	s5 =	simm.s32 $0xFFFFFFFF;
	p2 =	slt.u32 s8, $0xFFFFF086  }
0x1c: {  	p1 =	slt.u32 s9, $0xF7A;
	s5 =	simm.s32 @!p2 $0x0  }
0x1d: {  	s5 =	simm.s32 @p1 $0x1;
	p0 =	seq.s32 s7, s2  }
0x1e: {  	s7 =	smul.u32 @!p0 $0xF7A, s2;
	p2 =	seq.s32 @!p0 s5, $0x0  }
0x1f: {  	s9 =	smul.u32 $0xF7A, s1;
	s8 =	simm.s32 @!p0 $0x1BF5;
	p2 =	por !p2, p0  }
0x20: {  	[sflag:s8] =	ssyncset.s32 @!p0 $0xFFFFF086;
	s6 =	sadd.s32 @!p0 s3, s7;
	s7 =	simm.s32 @!p0 $0x108  }
0x21: {  	s3 =	sadd.s32 s3, s9;
	s6 =	sadd.s32 @!p0 $0x88, s6;
	s7 =	simm.s32 @p2 $0x1082  }
0x22: {  	[simem:s7], [sflag:s8] =	dma.local @!p0 [hbm:s6], $0xF7A  }
0x23: {  	s9 =	sor.u32 $0xD0000000, s2;
	s6 =	simm.s32 $0x108;
	_ =	swait.ge @!p0 [sflag:s8], $0x0  }
0x24: {  	s3 =	sadd.s32 $0x88, s3;
	s6 =	simm.s32 @!p1 $0x1082;
	[sflag:s4] =	ssyncset.s32 $0xFFFFF086  }
0x25: {  	[simem:s6], [sflag:s4] =	dma.local [hbm:s3], $0xF7A  }
0x26: {  	[smem:$0x3FA0] =	sst s1;
	(tag) =	ssettag s2;
	_ =	strace s9  }
0x27: {  	s1 =	sld [smem:$0x3FB0]  }
0x28: {  	s2 =	sld [smem:$0x3FB1]  }
0x29: {  	s4 =	sld [smem:$0x3FB3]  }
0x2a: {  	p0 =	seq.s32 s5, $0x0;
	s5 =	sld [smem:$0x3FB4]  }
0x2b: {  	s6 =	sld [smem:$0x3FB5]  }
0x2c: {  	s7 =	sld [smem:$0x3FB6]  }
0x2d: {  	s3 =	simm.s32 $0x108;
	s8 =	sld [smem:$0x3FB7]  }
0x2e: {  	s3 =	simm.s32 @!p0 $0x1082;
	s9 =	sld [smem:$0x3FB8]  }
0x2f: {  	lr =	sadd.s32 s0, s3;
	s0 =	sld [smem:$0x3FAF]  }
0x30: {  	s3 =	sld [smem:$0x3FB2]  }
0x31: {  	[smem:$0x3FBB] =	sst s10  }
0x32: {  	s10 =	sld [smem:$0x3FB9];
	_ =	sdelay $0x3  }
0x33: {  	p0 =	seq.s32 s10, $0x1;
	s10 =	sld [smem:$0x3FBB];
	_ =	sdelay $0x3  }
0x34: {  	[smem:$0x3FBB] =	sst s10  }
0x35: {  	s10 =	sld [smem:$0x3FBA];
	_ =	sdelay $0x3  }
0x36: {  	p1 =	seq.s32 s10, $0x1;
	s10 =	sld [smem:$0x3FBB];
	_ =	sdelay $0x3  }
0x37: {  	[smem:$0x3FBB] =	sst s10  }
0x38: {  	s10 =	sld [smem:$0x3FBC]  }
0x39: {  	_ = 	snop;
	(pc) =	sbr.ind lr, $3  }
0x3a: {  	_ = 	snop  }
0x3b: {  	_ = 	snop  }
0x3c: {  	p2 =	seq.s32 s10, $0x1;
	s10 =	sld [smem:$0x3FBB]  }
0x3d: {  	_ =	shalt  }
0x3e: {  	_ =	shalt  }
0x3f: {  	_ =	shalt  }
0x40: {  	_ =	shalt  }
0x41: {  	_ =	shalt  }
0x42: {  	_ =	shalt  }
0x43: {  	_ =	shalt  }
0x44: {  	_ =	shalt  }
0x45: {  	_ =	shalt  }
0x46: {  	_ =	shalt  }
0x47: {  	_ =	shalt  }
0x48: {  	_ =	shalt  }
0x49: {  	_ =	shalt  }
0x4a: {  	_ =	shalt  }
0x4b: {  	_ =	shalt  }
0x4c: {  	_ =	shalt  }
0x4d: {  	_ =	shalt  }
0x4e: {  	_ =	shalt  }
0x4f: {  	_ =	shalt  }
0x50: {  	_ =	shalt  }
0x51: {  	_ =	shalt  }
0x52: {  	_ =	shalt  }
0x53: {  	_ =	shalt  }
0x54: {  	_ =	shalt  }
0x55: {  	_ =	shalt  }
0x56: {  	_ =	shalt  }
0x57: {  	_ =	shalt  }
0x58: {  	_ =	shalt  }
0x59: {  	_ =	shalt  }
0x5a: {  	_ =	shalt  }
0x5b: {  	_ =	shalt  }
0x5c: {  	_ =	shalt  }
0x5d: {  	_ =	shalt  }
0x5e: {  	_ =	shalt  }
0x5f: {  	_ =	shalt  }
0x60: {  	_ =	shalt  }
0x61: {  	_ =	shalt  }
0x62: {  	_ =	shalt  }
0x63: {  	_ =	shalt  }
0x64: {  	_ =	shalt  }
0x65: {  	_ =	shalt  }
0x66: {  	_ =	shalt  }
0x67: {  	_ =	shalt  }
0x68: {  	_ =	shalt  }
0x69: {  	_ =	shalt  }
0x6a: {  	_ =	shalt  }
0x6b: {  	_ =	shalt  }
0x6c: {  	_ =	shalt  }
0x6d: {  	_ =	shalt  }
0x6e: {  	_ =	shalt  }
0x6f: {  	_ =	shalt  }
0x70: {  	_ =	shalt  }
0x71: {  	_ =	shalt  }
0x72: {  	_ =	shalt  }
0x73: {  	_ =	shalt  }
0x74: {  	_ =	shalt  }
0x75: {  	_ =	shalt  }
0x76: {  	_ =	shalt  }
0x77: {  	_ =	shalt  }
0x78: {  	_ =	shalt  }
0x79: {  	_ =	shalt  }
0x7a: {  	_ =	shalt  }
0x7b: {  	_ =	shalt  }
0x7c: {  	_ =	shalt  }
0x7d: {  	_ =	shalt  }
0x7e: {  	_ =	shalt  }
0x7f: {  	_ =	shalt  }
0x80: {  	_ =	shalt  }
0x81: {  	_ =	shalt  }
0x82: {  	_ =	shalt  }
0x83: {  	_ =	shalt  }
0x84: {  	_ =	shalt  }
0x85: {  	_ =	shalt  }
0x86: {  	_ =	shalt  }
0x87: {  	_ =	shalt  }
.Lfunc_end0:
.L_simem_size_0:
called_computation_lowered:
.L_overlay_start_0:
0x88: {  	s0 =	sld [smem:$0x3FD9]  }
0x89: {  	s1 =	sld [smem:$0x3FFE];
	_ =	sdelay $0x3  }
0x8a: {  	s0 =	sadd.s32 s1, s0  }
0x8b: {  	[smem:$0x3FC7] =	sst s0  }
0x8c: {  	_ = 	snop  }
0x8d: {  	s0 =	sld [smem:$0x3FD0];
	(tm) =	ssettm $0x1  }
0x8e: {  	s16 =	sld [smem:$0x3FFB];
	_ =	sdelay $0x3  }
0x8f: {  	_ =	strace s16  }
0x90: {  	s1 =	sld [smem:$0x3FFC];
	_ =	sdelay $0x3  }
0x91: {  	_ =	strace s1  }
0x92: {  	s1 =	sld [smem:$0x3FFD];
	_ =	sdelay $0x3  }
0x93: {  	_ =	strace s1  }
0x94: {  	_ =	strace $0x8FFFFFFF  }
0x95: {  	s17 =	sld [smem:$0x3FDB];
	_ =	sdelay $0x1  }
0x96: {  	s2 =	simm.s32 $_scs_section_size  }
0x97: {  	s3 =	simm.s32 $_size__tile_overlayer_lowered;
	s4 =	simm.s32 $_tile_overlayer_lowered  }
0x98: {  	s20 =	simm.s32 $0x1BFF;
	s19 =	sshll.u32 s4, $0x1;
	s1 =	sadd.s32 s2, s17  }
0x99: {  	s5 =	simm.s32 $0x0;
	s18 =	sshll.u32 s3, $0x1;
	s3 =	sadd.s32 s19, s1  }
0x9a: {  	[timem:s5], [sflag:s20] =	dma.local [hbm:s3], s18  }
0x9b: {  	_ =	swait.ge [sflag:s20], s18  }
0x9c: {  	s2 =	ssub.s32 $0x0, s18;
	[sflag:s20] =	ssyncset.done $0x0  }
0x9d: {  	[sflag:s20] =	ssyncadd.s32 s2;
	_ =	sdelay $0x1  }
0x9e: {  	s21 =	simm.s32 $0x1B8B  }
0x9f: {  	_ =	swait.ge [sflag:s21], $0x1  }
0xa0: {  	[sflag:s21] =	ssyncset.done $0x0  }
0xa1: {  	s23 =	simm.s32 $0x1B8E;
	s22 =	sld [smem:$0x3FFE];
	[sflag:s21] =	ssyncadd.s32 $0xFFFFFFFF  }
0xa2: {  	s24 =	simm.s32 $execute0_lowered;
	[smem:$0x3FD2] =	sst s23  }
0xa3: {  	s3 =	sshll.u32 s24, $0x1;
	_ =	strace $0x80000046;
	[dreg:$0x1] =	wrdreg $0xFFFFFFFF  }
0xa4: {  	s25 =	simm.s32 $_size_execute0_lowered;
	s1 =	sadd.s32 s1, s3;
	[dreg:$0x0] =	wrdreg $0x0  }
0xa5: {  	s3 =	sshll.u32 s25, $0x1;
	[dreg:$0x2] =	wrdreg s1  }
0xa6: {  	[dreg:$0x3] =	wrdreg s3  }
0xa7: {  	[dreg:$0x4] =	wrdreg $0xC0  }
0xa8: {  	_ =	task [dreg:s5], $0x5FFFF  }
0xa9: {  	[dreg:$0x1] =	wrdreg $0xFFFFFFFF  }
0xaa: {  	[dreg:$0x0] =	wrdreg $0x60  }
0xab: {  	[dreg:$0x2] =	wrdreg s0  }
0xac: {  	[dreg:$0x3] =	wrdreg s22  }
0xad: {  	[dreg:$0x4] =	wrdreg $0x9  }
0xae: {  	_ =	task.clear_ibuf [dreg:s5], $0x5FFFF;
	_ =	strace $0x90000046  }
0xaf: {  	s26 =	simm.s32 $0x9;
	_ =	strace $0x80000048  }
0xb0: {  	_ =	swait.ge [sflag:s26], $0x1  }
0xb1: {  	[sflag:s26] =	ssyncadd.s32 $0xFFFFFFFF  }
0xb2: {  	_ =	strace $0x90000048  }
0xb3: {  	_ =	sfence  }
0xb4: {  	s28 =	sld [smem:$0x0];
	_ =	sdelay $0x1  }
0xb5: {  	s29 =	srdreg.scid  }
0xb6: {  	s30 =	sshll.u32 s29, $0xD;
	s31 =	sshrl.u32 s29, $0x2  }
0xb7: {  	s2 =	sand.u32 $0x4000, s30;
	s1 =	sand.u32 $0x1, s29;
	s0 =	sadd.s32 s31, s28  }
0xb8: {  	s1 =	sor.u32 s2, s1;
	s0 =	sshll.u32 s0, $0x11  }
0xb9: {  	s0 =	sor.u32 s0, s1  }
0xba: {  	s0 =	sadd.s32 $0x8F2B, s0  }
0xbb: {  	[sflag:s0] =	ssyncadd.remote.s32 $0x1  }
0xbc: {  	_ =	sfence.sel $0xFFFF  }
0xbd: {  	[dreg:$0x0] =	wrdreg $0xFFFFFFFF;
	(pc) =	sbr.abs _section_cstart, $3  }
0xbe: {  	[dreg:$0x1] =	wrdreg $0xFFFFFFFF  }
0xbf: {  	_ =	task.clear_ibuf [dreg:s5], $0x2FFFF;
	_ =	strace $0x9FFFFFFF  }
0xc0: {  	(tm) =	ssettm $0x7FFFFFFF  }
0xc1: {  	_ =	shalt  }
tec
execute0_lowered:
.L_overlay_start_1:
0x0: {  	(tag) =	ssettag $0x1  }
0x1: {  	s1 =	stileid.u32  }
0x2: {  	p0 =	sgt.u32 s1, $0x3  }
.Ltmp0:
0x3: {  	_ = 	snop;
	(pc) =	sbr.rel @p0 .LBB2_2-.Ltmp0, $4  }
0x4: {  	s4 =	rddreg [dreg:$0x0]  }
0x5: {  	s3 =	rddreg [dreg:$0x1];
	s2 =	simm.s32 $0x0  }
0x6: {  	[smem:$0x7FF] =	sst s2  }
0x7: {  	s0 =	rddreg [dreg:$0x2];
	_ =	strace $0x80000047  }
0x8: {  	v0 =	vlaneseq.u32  }
0x9: {  	v1 =	vand.u32 $0x7, v0  }
0xa: {  	s5 =	sshll.u32 s1, $0x3;
	v1 =	vmul.u32 $0x8, v1  }
0xb: {  	s21 =	simm.s32 $0x1;
	s4 =	sadd.s32 s4, s5  }
0xc: {  	[tilespmem:s2], [sflag:$0x1] =	stream.linear.gather [hbm4b:s4+s2], $0x40, $0x38;
	v2 =	vor.u32 $0x1, v1;
	[tilespmem:$0x50] =	vst v63  }
0xd: {  	_ =	swait.ge [sflag:s21], $0x40;
	v3 =	vor.u32 $0x2, v1  }
0xe: {  	[sflag:s21] =	ssyncset.done $0x0;
	v4 =	vor.u32 $0x3, v1  }
0xf: {  	v5 =	vor.u32 $0x4, v1;
	[sflag:s21] =	ssyncadd.s32 $0xFFFFFFC0  }
0x10: {  	v7 =	vor.u32 $0x5, v1;
	v6 =	vld.idx.msk [tilespmem:v1+s2+$0x0], $0xffff  }
0x11: {  	v8 =	vor.u32 $0x6, v1;
	v2 =	vld.idx.msk [tilespmem:v2+s2+$0x0], $0xffff  }
0x12: {  	v9 =	vor.u32 $0x7, v1;
	v3 =	vld.idx.msk [tilespmem:v3+s2+$0x0], $0xffff  }
0x13: {  	v4 =	vld.idx.msk [tilespmem:v4+s2+$0x0], $0xffff  }
0x14: {  	v5 =	vld.idx.msk [tilespmem:v5+s2+$0x0], $0xffff  }
0x15: {  	v7 =	vld.idx.msk [tilespmem:v7+s2+$0x0], $0xffff  }
0x16: {  	v15 =	vld.idx.msk [tilespmem:v8+s2+$0x0], $0xffff;
	v2 =	vadd.s32 v6, v2  }
0x17: {  	v16 =	vld.idx.msk [tilespmem:v9+s2+$0x0], $0xffff;
	v2 =	vadd.s32 v3, v2  }
0x18: {  	v2 =	vadd.s32 v4, v2  }
0x19: {  	v2 =	vadd.s32 v5, v2  }
0x1a: {  	v2 =	vadd.s32 v7, v2  }
0x1b: {  	v2 =	vadd.s32 v15, v2  }
0x1c: {  	vm0 =	vmmov $0xff;
	v2 =	vadd.s32 v16, v2  }
0x1d: {  	v3 =	vnsel vm0, $0x3E7, v2  }
0x1e: {  	vm1 =	veq.s32 v3, $0x0  }
0x1f: {  	v17 =	vimm.s32 $0x0;
	vm1 =	vmand vm1, vm0  }
0x20: {  	v18 =	vsel vm1, $0x1, v17  }
0x21: {  	(xrf0) =	vadd.scan.msk.s32 $0xffff, v18;
	_ =	sdelay $0x5  }
0x22: {  	v19, _, _ =	vpop (xrf0)  }
0x23: {  	v20 =	vadd.s32 $0x64, v0;
	v4 =	vsub.s32 v19, v18  }
0x24: {  	v4 =	vsel vm1, v4, v20  }
0x25: {  	vm1 =	veq.s32 v4, $0x0  }
0x26: {  	v21 =	vnsel vm1, $0x0, v0  }
0x27: {  	(xrf0) =	vadd.scan.msk.s32 $0xffff, v21;
	_ =	sdelay $0x5  }
0x28: {  	v6, _, _ =	vpop (xrf0)  }
0x29: {  	v6 =	vbroadcast v6, $0xF;
	_ =	sdelay $0x1  }
0x2a: {  	v6 =	vadd.s32 v1, v6;
	_ =	sdelay $0x4  }
0x2b: {  	v6 =	vld.idx.msk [tilespmem:v6+s2+$0x0], $0xffff;
	_ =	sdelay $0x4  }
0x2c: {  	vm12 =	veq.s32 v6, $0x1  }
0x2d: {  	vm1 =	vmand vm12, vm0  }
0x2e: {  	v22 =	vsel vm1, $0xFFFFFFFF, v17  }
0x2f: {  	v3 =	vadd.s32 v22, v3  }
0x30: {  	vm2 =	veq.s32 v3, $0x0  }
0x31: {  	vm1 =	vmand vm1, vm2  }
0x32: {  	v23 =	vsel vm1, $0x1, v17  }
0x33: {  	(xrf0) =	vadd.scan.msk.s32 $0xffff, v23;
	_ =	sdelay $0x3  }
0x34: {  	v24 =	vbroadcast v19, $0xF  }
0x35: {  	v25 =	vsel vm1, $0xFFFFFFFF, v17  }
0x36: {  	v6 =	vadd.s32 v25, v24;
	v26, _, _ =	vpop (xrf0)  }
0x37: {  	v6 =	vadd.s32 v26, v6  }
0x38: {  	v4 =	vsel vm1, v6, v4  }
0x39: {  	vm1 =	veq.s32 v4, $0x1  }
0x3a: {  	v27 =	vnsel vm1, $0x0, v0  }
0x3b: {  	(xrf0) =	vadd.scan.msk.s32 $0xffff, v27;
	_ =	sdelay $0x5  }
0x3c: {  	v6, _, _ =	vpop (xrf0)  }
0x3d: {  	v6 =	vbroadcast v6, $0xF;
	_ =	sdelay $0x1  }
0x3e: {  	v6 =	vadd.s32 v1, v6;
	_ =	sdelay $0x4  }
0x3f: {  	v6 =	vld.idx.msk [tilespmem:v6+s2+$0x0], $0xffff;
	_ =	sdelay $0x1  }
0x40: {  	(v2sf) =	vpush v19, $0xF  }
0x41: {  	(v2sf) =	vpush v26, $0xF;
	_ =	sdelay $0x1  }
0x42: {  	vm13 =	veq.s32 v6, $0x1  }
0x43: {  	vm1 =	vmand vm13, vm0  }
0x44: {  	v28 =	vsel vm1, $0xFFFFFFFF, v17  }
0x45: {  	v3 =	vadd.s32 v28, v3  }
0x46: {  	vm14 =	veq.s32 v3, $0x0  }
0x47: {  	vm1 =	vmand vm1, vm14  }
0x48: {  	v29 =	vsel vm1, $0x1, v17  }
0x49: {  	(xrf0) =	vadd.scan.msk.s32 $0xffff, v29;
	_ =	sdelay $0x4  }
0x4a: {  	s22 =	spop (v2sf)  }
0x4b: {  	s6 =	spop (v2sf);
	v30 =	vsel vm1, $0xFFFFFFFF, v17;
	v31, _, _ =	vpop (xrf0)  }
0x4c: {  	s5 =	sadd.s32 s22, s6;
	v5 =	vadd.s32 v30, v31  }
0x4d: {  	v5 =	vadd.s32 s5, v5  }
0x4e: {  	v4 =	vsel vm1, v5, v4  }
0x4f: {  	vm1 =	veq.s32 v4, $0x2  }
0x50: {  	v32 =	vnsel vm1, $0x0, v0  }
0x51: {  	(xrf0) =	vadd.scan.msk.s32 $0xffff, v32;
	_ =	sdelay $0x5  }
0x52: {  	v5, _, _ =	vpop (xrf0)  }
0x53: {  	v5 =	vbroadcast v5, $0xF;
	_ =	sdelay $0x1  }
0x54: {  	v5 =	vadd.s32 v1, v5;
	_ =	sdelay $0x4  }
0x55: {  	v5 =	vld.idx.msk [tilespmem:v5+s2+$0x0], $0xffff;
	_ =	sdelay $0x2  }
0x56: {  	(v2sf) =	vpush v31, $0xF;
	_ =	sdelay $0x1  }
0x57: {  	vm15 =	veq.s32 v5, $0x1  }
0x58: {  	vm1 =	vmand vm15, vm0  }
0x59: {  	v33 =	vsel vm1, $0xFFFFFFFF, v17  }
0x5a: {  	v3 =	vadd.s32 v33, v3  }
0x5b: {  	vm4 =	veq.s32 v3, $0x0  }
0x5c: {  	vm1 =	vmand vm1, vm4  }
0x5d: {  	v34 =	vsel vm1, $0x1, v17  }
0x5e: {  	(xrf0) =	vadd.scan.msk.s32 $0xffff, v34;
	_ =	sdelay $0x5  }
0x5f: {  	s23 =	spop (v2sf);
	v35 =	vsel vm1, $0xFFFFFFFF, v17;
	v36, _, _ =	vpop (xrf0)  }
0x60: {  	s5 =	sadd.s32 s23, s5;
	v5 =	vadd.s32 v35, v36  }
0x61: {  	v5 =	vadd.s32 s5, v5  }
0x62: {  	v4 =	vsel vm1, v5, v4  }
0x63: {  	vm1 =	veq.s32 v4, $0x3  }
0x64: {  	v37 =	vnsel vm1, $0x0, v0  }
0x65: {  	(xrf0) =	vadd.scan.msk.s32 $0xffff, v37;
	_ =	sdelay $0x5  }
0x66: {  	v5, _, _ =	vpop (xrf0)  }
0x67: {  	v5 =	vbroadcast v5, $0xF;
	_ =	sdelay $0x1  }
0x68: {  	v5 =	vadd.s32 v1, v5;
	_ =	sdelay $0x4  }
0x69: {  	v5 =	vld.idx.msk [tilespmem:v5+s2+$0x0], $0xffff;
	_ =	sdelay $0x2  }
0x6a: {  	(v2sf) =	vpush v36, $0xF;
	_ =	sdelay $0x1  }
0x6b: {  	vm5 =	veq.s32 v5, $0x1  }
0x6c: {  	vm1 =	vmand vm5, vm0  }
0x6d: {  	v38 =	vsel vm1, $0xFFFFFFFF, v17  }
0x6e: {  	v3 =	vadd.s32 v38, v3  }
0x6f: {  	vm6 =	veq.s32 v3, $0x0  }
0x70: {  	vm1 =	vmand vm1, vm6  }
0x71: {  	v39 =	vsel vm1, $0x1, v17  }
0x72: {  	(xrf0) =	vadd.scan.msk.s32 $0xffff, v39;
	_ =	sdelay $0x5  }
0x73: {  	s24 =	spop (v2sf);
	v40 =	vsel vm1, $0xFFFFFFFF, v17;
	v41, _, _ =	vpop (xrf0)  }
0x74: {  	s5 =	sadd.s32 s24, s5;
	v5 =	vadd.s32 v40, v41  }
0x75: {  	v5 =	vadd.s32 s5, v5  }
0x76: {  	v4 =	vsel vm1, v5, v4  }
0x77: {  	vm1 =	veq.s32 v4, $0x4  }
0x78: {  	v42 =	vnsel vm1, $0x0, v0  }
0x79: {  	(xrf0) =	vadd.scan.msk.s32 $0xffff, v42;
	_ =	sdelay $0x5  }
0x7a: {  	v5, _, _ =	vpop (xrf0)  }
0x7b: {  	v5 =	vbroadcast v5, $0xF;
	_ =	sdelay $0x1  }
0x7c: {  	v5 =	vadd.s32 v1, v5;
	_ =	sdelay $0x4  }
0x7d: {  	v5 =	vld.idx.msk [tilespmem:v5+s2+$0x0], $0xffff;
	_ =	sdelay $0x2  }
0x7e: {  	(v2sf) =	vpush v41, $0xF;
	_ =	sdelay $0x1  }
0x7f: {  	vm7 =	veq.s32 v5, $0x1  }
0x80: {  	vm1 =	vmand vm7, vm0  }
0x81: {  	v43 =	vsel vm1, $0xFFFFFFFF, v17  }
0x82: {  	v3 =	vadd.s32 v43, v3  }
0x83: {  	vm8 =	veq.s32 v3, $0x0  }
0x84: {  	vm1 =	vmand vm1, vm8  }
0x85: {  	v44 =	vsel vm1, $0x1, v17  }
0x86: {  	(xrf0) =	vadd.scan.msk.s32 $0xffff, v44;
	_ =	sdelay $0x5  }
0x87: {  	s25 =	spop (v2sf);
	v45 =	vsel vm1, $0xFFFFFFFF, v17;
	v46, _, _ =	vpop (xrf0)  }
0x88: {  	s5 =	sadd.s32 s25, s5;
	v5 =	vadd.s32 v45, v46  }
0x89: {  	v5 =	vadd.s32 s5, v5  }
0x8a: {  	v4 =	vsel vm1, v5, v4  }
0x8b: {  	vm1 =	veq.s32 v4, $0x5  }
0x8c: {  	v47 =	vnsel vm1, $0x0, v0  }
0x8d: {  	(xrf0) =	vadd.scan.msk.s32 $0xffff, v47;
	_ =	sdelay $0x5  }
0x8e: {  	v5, _, _ =	vpop (xrf0)  }
0x8f: {  	v5 =	vbroadcast v5, $0xF;
	_ =	sdelay $0x1  }
0x90: {  	v5 =	vadd.s32 v1, v5;
	_ =	sdelay $0x4  }
0x91: {  	v5 =	vld.idx.msk [tilespmem:v5+s2+$0x0], $0xffff;
	_ =	sdelay $0x2  }
0x92: {  	(v2sf) =	vpush v46, $0xF;
	_ =	sdelay $0x1  }
0x93: {  	vm9 =	veq.s32 v5, $0x1  }
0x94: {  	vm1 =	vmand vm9, vm0  }
0x95: {  	v48 =	vsel vm1, $0xFFFFFFFF, v17  }
0x96: {  	v3 =	vadd.s32 v48, v3  }
0x97: {  	vm10 =	veq.s32 v3, $0x0  }
0x98: {  	vm1 =	vmand vm1, vm10  }
0x99: {  	v49 =	vsel vm1, $0x1, v17  }
0x9a: {  	(xrf0) =	vadd.scan.msk.s32 $0xffff, v49;
	_ =	sdelay $0x5  }
0x9b: {  	s26 =	spop (v2sf);
	v50 =	vsel vm1, $0xFFFFFFFF, v17;
	v51, _, _ =	vpop (xrf0)  }
0x9c: {  	s5 =	sadd.s32 s26, s5;
	v5 =	vadd.s32 v50, v51  }
0x9d: {  	v5 =	vadd.s32 s5, v5  }
0x9e: {  	v4 =	vsel vm1, v5, v4  }
0x9f: {  	vm1 =	veq.s32 v4, $0x6  }
0xa0: {  	v52 =	vnsel vm1, $0x0, v0  }
0xa1: {  	(xrf0) =	vadd.scan.msk.s32 $0xffff, v52;
	_ =	sdelay $0x5  }
0xa2: {  	v5, _, _ =	vpop (xrf0)  }
0xa3: {  	v5 =	vbroadcast v5, $0xF;
	_ =	sdelay $0x1  }
0xa4: {  	v5 =	vadd.s32 v1, v5;
	_ =	sdelay $0x4  }
0xa5: {  	v5 =	vld.idx.msk [tilespmem:v5+s2+$0x0], $0xffff;
	_ =	sdelay $0x2  }
0xa6: {  	(v2sf) =	vpush v51, $0xF;
	_ =	sdelay $0x1  }
0xa7: {  	vm11 =	veq.s32 v5, $0x1  }
0xa8: {  	vm1 =	vmand vm11, vm0  }
0xa9: {  	v53 =	vsel vm1, $0xFFFFFFFF, v17  }
0xaa: {  	v3 =	vadd.s32 v53, v3  }
0xab: {  	vm12 =	veq.s32 v3, $0x0  }
0xac: {  	vm1 =	vmand vm1, vm12  }
0xad: {  	v54 =	vsel vm1, $0x1, v17  }
0xae: {  	(xrf0) =	vadd.scan.msk.s32 $0xffff, v54;
	_ =	sdelay $0x5  }
0xaf: {  	s28 =	spop (v2sf);
	v55 =	vsel vm1, $0xFFFFFFFF, v17;
	v56, _, _ =	vpop (xrf0)  }
0xb0: {  	s5 =	sadd.s32 s28, s5;
	v5 =	vadd.s32 v55, v56  }
0xb1: {  	v5 =	vadd.s32 s5, v5  }
0xb2: {  	v4 =	vsel vm1, v5, v4  }
0xb3: {  	vm1 =	veq.s32 v4, $0x7  }
0xb4: {  	v57 =	vnsel vm1, $0x0, v0  }
0xb5: {  	(xrf0) =	vadd.scan.msk.s32 $0xffff, v57;
	_ =	sdelay $0x5  }
0xb6: {  	v5, _, _ =	vpop (xrf0)  }
0xb7: {  	v5 =	vbroadcast v5, $0xF;
	_ =	sdelay $0x1  }
0xb8: {  	v1 =	vadd.s32 v1, v5;
	_ =	sdelay $0x4  }
0xb9: {  	v1 =	vld.idx.msk [tilespmem:v1+s2+$0x0], $0xffff;
	_ =	sdelay $0x1  }
0xba: {  	(v2sf) =	vpush v56, $0xF;
	_ =	sdelay $0x2  }
0xbb: {  	vm13 =	veq.s32 v1, $0x1  }
0xbc: {  	vm0 =	vmand vm13, vm0  }
0xbd: {  	v58 =	vsel vm0, $0x1, v17  }
0xbe: {  	vm14 =	veq.s32 v3, v58  }
0xbf: {  	vm0 =	vmand vm0, vm14  }
0xc0: {  	v59 =	vsel vm0, $0x1, v17  }
0xc1: {  	(xrf0) =	vadd.scan.msk.s32 $0xffff, v59;
	_ =	sdelay $0x5  }
0xc2: {  	s29 =	spop (v2sf);
	v60 =	vsel vm0, $0xFFFFFFFF, v17;
	v61, _, _ =	vpop (xrf0)  }
0xc3: {  	s5 =	sadd.s32 s29, s5;
	v1 =	vadd.s32 v60, v61;
	(v2sf) =	vpush v61, $0xF  }
0xc4: {  	v1 =	vadd.s32 s5, v1  }
0xc5: {  	v1 =	vsel vm0, v1, v4  }
0xc6: {  	v1 =	vxor.u32 $0x80000000, v1  }
0xc7: {  	(xrf1) =	vsort.ascd.msk.u32 $0xffff, v1, v0;
	_ =	sdelay $0xa  }
0xc8: {  	s30 =	spop (v2sf)  }
0xc9: {  	s5 =	sadd.s32 s30, s5  }
0xca: {  	v62 =	vmov s5  }
0xcb: {  	_, v63, _ =	vpop (xrf1);
	vm15 =	vgt.s32 v62, v0  }
0xcc: {  	s3 =	sadd.s32 $0x600, s3;
	v0 =	vnsel vm15, $0x0, v63  }
0xcd: {  	s31 =	simm.s32 $0x40;
	s3 =	sadd.s32 s3, s1;
	[tilespmem:$0x40] =	vst v0  }
0xce: {  	[hbm4b:s3+s2] =	stream.linear.scatter [tilespmem:s31], [sflag:$0x1], $0x8, $0x38;
	[tilespmem:$0x50] =	vst v63  }
0xcf: {  	_ =	swait.ge [sflag:s21], $0x8  }
0xd0: {  	[sflag:s21] =	ssyncset.done $0x0  }
0xd1: {  	[sflag:s21] =	ssyncadd.s32 $0xFFFFFFF8  }
.LBB2_2:
0xd2: {  	_ =	sfence.sel $0x180000  }
0xd3: {  	[bflag:$0x0] =	sbarrier.arrive $0xFFFF  }
0xd4: {  	p0 =	sne.s32 s1, $0x0;
	_ =	strace $0x90000047  }
0xd5: {  	s0 =	sadd.s32 @!p0 $0x100000, s0;
	[bflag:$0x2] =	sbarrier.arrive $0xFFFF  }
0xd6: {  	[sflag:s0] =	ssyncadd.tile.s32 @!p0 $0x1;
	_ =	shalt  }
.Lfunc_end2:
_tile_overlayer_lowered:
.L_overlay_start_2:
0xd7: {  	(tag) =	ssettag $0x2  }
0xd8: {  	s0 =	rddreg [dreg:$0x0];
	s2 =	stileid.u32  }
0xd9: {  	s1 =	rddreg [dreg:$0x1];
	p0 =	sne.s32 s2, $0x0  }
0xda: {  	s3 =	rddreg [dreg:$0x2];
	[bflag:$0x3] =	sbarrier.arrive $0xFFFF;
	s2 =	simm.s32 @!p0 $0x1C01  }
0xdb: {  	[timem:s3], [sflag:s2] =	dma.local @!p0 [hbm:s0], s1  }
0xdc: {  	s0 =	simm.s32 @!p0 $0x1  }
0xdd: {  	_ =	swait.ge @!p0 [sflag:s0], s1  }
0xde: {  	s1 =	ssub.s32 @!p0 $0x0, s1;
	[sflag:s0] =	ssyncset.done @!p0 $0x0  }
0xdf: {  	[sflag:s0] =	ssyncadd.s32 @!p0 s1  }
0xe0: {  	[bflag:$0x3] =	sbarrier.arrive $0xFFFF  }
0xe1: {  	_ =	shalt  }

</sc_bundles>
